<compile_context>
chip_gen: v7x
topology: tpu7x:2x2x1
jax: 0.10.2.dev20260603
libtpu: 0.0.44.dev20260713+nightly
codegen_flags: <defaults>
</compile_context>

<pallas_src>
import functools

import jax
import jax.numpy as jnp
from jax import lax
from jax.experimental import pallas as pl
from jax.experimental.pallas import tpu as pltpu
from jax.experimental.pallas import tpu_sc as plsc

F32 = jnp.float32

N_NODES = 10000
N_EDGES = 320000
D_FEAT = 128
D_EDGE = 16
HIDDEN = 128

NC = 2
NS = 16
NW = NC * NS

GCHUNK = 80
SCHUNK = 80

NPW = N_EDGES // NW
NPS = N_EDGES // NS
NPAD = 10240
ROWS_PT = NPAD // NS
ZROWS = 128



def _precompute_body(x_ref, wa_ref, wb_ref, b_ref, xa_ref, xb_ref):
    x = x_ref[...]
    xa_ref[...] = jnp.dot(x, wa_ref[...], preferred_element_type=F32) + b_ref[...]
    xb_ref[...] = jnp.dot(x, wb_ref[...], preferred_element_type=F32)


def _precompute(x, wa, wb, b):
    return pl.pallas_call(
        _precompute_body,
        out_shape=(
            jax.ShapeDtypeStruct((N_NODES, D_FEAT), F32),
            jax.ShapeDtypeStruct((N_NODES, D_FEAT), F32),
        ),
    )(x, wa, wb, b)



def _gather_body(xa_hbm, xb_hbm, src_hbm, dst_hbm, g_hbm,
                 bufa, bufb, idxa, idxb, sema, semb):
    c = lax.axis_index("c")
    s = lax.axis_index("s")
    wid = s * NC + c
    base0 = wid * NPW

    def body(i, carry):
        base = pl.multiple_of(base0 + i * GCHUNK, GCHUNK)
        pltpu.sync_copy(src_hbm.at[pl.ds(base, GCHUNK)], idxa)
        pltpu.sync_copy(dst_hbm.at[pl.ds(base, GCHUNK)], idxb)
        cpa = pltpu.async_copy(xa_hbm.at[idxa], bufa, sema)
        cpb = pltpu.async_copy(xb_hbm.at[idxb], bufb, semb)
        cpa.wait()
        cpb.wait()

        def row(j, carry2):
            for q in range(D_FEAT // 16):
                sl = pl.ds(q * 16, 16)
                bufa[j, sl] = bufa[j, sl] + bufb[j, sl]
            return carry2

        lax.fori_loop(0, GCHUNK, row, 0, unroll=False)
        pltpu.sync_copy(bufa, g_hbm.at[pl.ds(base, GCHUNK)])
        return carry

    lax.fori_loop(0, NPW // GCHUNK, body, 0, unroll=False)


@functools.partial(jax.jit, static_argnames=())
def _gather(xa, xb, src, dst):
    mesh = plsc.VectorSubcoreMesh(core_axis_name="c", subcore_axis_name="s")
    return pl.kernel(
        _gather_body,
        out_type=jax.ShapeDtypeStruct((N_EDGES, D_FEAT), F32),
        mesh=mesh,
        scratch_types=[
            pltpu.VMEM((GCHUNK, D_FEAT), F32),
            pltpu.VMEM((GCHUNK, D_FEAT), F32),
            pltpu.VMEM((GCHUNK,), jnp.int32),
            pltpu.VMEM((GCHUNK,), jnp.int32),
            pltpu.SemaphoreType.DMA,
            pltpu.SemaphoreType.DMA,
        ],
    )(xa, xb, src, dst)



def _edge_body(g_ref, ea_ref, wc_ref, w2_ref, b2_ref, ge_ref, bbe_ref, out_ref):
    h = g_ref[...] + jnp.dot(ea_ref[...], wc_ref[...], preferred_element_type=F32)
    h = jnp.maximum(h, 0.0)
    y = jnp.dot(h, w2_ref[...], preferred_element_type=F32) + b2_ref[...]
    mu = jnp.mean(y, axis=-1, keepdims=True)
    var = jnp.mean(jnp.square(y - mu), axis=-1, keepdims=True)
    out_ref[...] = (y - mu) * lax.rsqrt(var + 1e-5) * ge_ref[...] + bbe_ref[...]


def _edge_mlp(g, ea, wc, w2, b2, ge, bbe, blk=2000):
    nblk = N_EDGES // blk
    full = lambda i: (0, 0)
    return pl.pallas_call(
        _edge_body,
        grid=(nblk,),
        in_specs=[
            pl.BlockSpec((blk, D_FEAT), lambda i: (i, 0)),
            pl.BlockSpec((blk, D_EDGE), lambda i: (i, 0)),
            pl.BlockSpec((D_EDGE, HIDDEN), full),
            pl.BlockSpec((HIDDEN, D_FEAT), full),
            pl.BlockSpec((1, D_FEAT), full),
            pl.BlockSpec((1, D_FEAT), full),
            pl.BlockSpec((1, D_FEAT), full),
        ],
        out_specs=pl.BlockSpec((blk, D_FEAT), lambda i: (i, 0)),
        out_shape=jax.ShapeDtypeStruct((N_EDGES, D_FEAT), F32),
        compiler_params=pltpu.CompilerParams(
            dimension_semantics=("arbitrary",),
        ),
    )(g, ea, wc, w2, b2, ge, bbe)



def _scatter_body(edata_hbm, src_hbm, dst_hbm, sums_hbm, cnts_hbm,
                  buf, idxb, ones, zbuf, zcnt, acc, cacc):
    c = lax.axis_index("c")
    s = lax.axis_index("s")

    def zrow(j, carry):
        for q in range(D_FEAT // 16):
            zbuf[j, pl.ds(q * 16, 16)] = jnp.zeros((16,), F32)
        return carry

    lax.fori_loop(0, ZROWS, zrow, 0, unroll=False)

    def zcrow(j, carry):
        zcnt[j, :] = jnp.zeros((16,), F32)
        return carry

    lax.fori_loop(0, ROWS_PT, zcrow, 0, unroll=False)

    def orow(j, carry):
        ones[j, :] = jnp.ones((16,), F32)
        return carry

    lax.fori_loop(0, SCHUNK, orow, 0, unroll=False)

    for k in range(ROWS_PT // ZROWS):
        pltpu.sync_copy(zbuf, acc.at[pl.ds(s * ROWS_PT + k * ZROWS, ZROWS)])
    pltpu.sync_copy(zcnt, cacc.at[pl.ds(s * ROWS_PT, ROWS_PT)])
    plsc.subcore_barrier()

    base0 = s * NPS

    def body(i, carry):
        base = pl.multiple_of(base0 + i * SCHUNK, SCHUNK)

        @pl.when(c == 0)
        def _():
            pltpu.sync_copy(src_hbm.at[pl.ds(base, SCHUNK)], idxb)

        @pl.when(c == 1)
        def _():
            pltpu.sync_copy(dst_hbm.at[pl.ds(base, SCHUNK)], idxb)

        pltpu.sync_copy(edata_hbm.at[pl.ds(base, SCHUNK)], buf)
        pltpu.sync_copy(buf, acc.at[idxb], add=True)
        pltpu.sync_copy(ones, cacc.at[idxb], add=True)
        return carry

    lax.fori_loop(0, NPS // SCHUNK, body, 0, unroll=False)
    plsc.subcore_barrier()

    for k in range(ROWS_PT // ZROWS):
        r0 = s * ROWS_PT + k * ZROWS
        pltpu.sync_copy(acc.at[pl.ds(r0, ZROWS)], zbuf)
        pltpu.sync_copy(zbuf, sums_hbm.at[c, pl.ds(r0, ZROWS)])
    pltpu.sync_copy(cacc.at[pl.ds(s * ROWS_PT, ROWS_PT)], zcnt)
    pltpu.sync_copy(zcnt, cnts_hbm.at[c, pl.ds(s * ROWS_PT, ROWS_PT)])


def _scatter(edata, src, dst):
    mesh = plsc.VectorSubcoreMesh(core_axis_name="c", subcore_axis_name="s")
    return pl.kernel(
        _scatter_body,
        out_type=(
            jax.ShapeDtypeStruct((2, NPAD, D_FEAT), F32),
            jax.ShapeDtypeStruct((2, NPAD, 16), F32),
        ),
        mesh=mesh,
        scratch_types=[
            pltpu.VMEM((SCHUNK, D_FEAT), F32),
            pltpu.VMEM((SCHUNK,), jnp.int32),
            pltpu.VMEM((SCHUNK, 16), F32),
            pltpu.VMEM((ZROWS, D_FEAT), F32),
            pltpu.VMEM((ROWS_PT, 16), F32),
            pltpu.VMEM_SHARED((NPAD, D_FEAT), F32),
            pltpu.VMEM_SHARED((NPAD, 16), F32),
        ],
        compiler_params=pltpu.CompilerParams(use_tc_tiling_on_sc=False),
    )(edata, src, dst)



def _node_body(sums_ref, cnts_ref, x_ref, wa_ref, wb_ref, wx_ref, b1_ref,
               w2_ref, b2_ref, gn_ref, bbn_ref, out_ref):
    inv_s = 1.0 / jnp.maximum(cnts_ref[0, :, 0:1], 1.0)
    inv_d = 1.0 / jnp.maximum(cnts_ref[1, :, 0:1], 1.0)
    agg_s = sums_ref[0] * inv_s
    agg_d = sums_ref[1] * inv_d
    h = (jnp.dot(agg_s, wa_ref[...], preferred_element_type=F32)
         + jnp.dot(agg_d, wb_ref[...], preferred_element_type=F32)
         + jnp.dot(x_ref[...], wx_ref[...], preferred_element_type=F32)
         + b1_ref[...])
    h = jnp.maximum(h, 0.0)
    y = jnp.dot(h, w2_ref[...], preferred_element_type=F32) + b2_ref[...]
    mu = jnp.mean(y, axis=-1, keepdims=True)
    var = jnp.mean(jnp.square(y - mu), axis=-1, keepdims=True)
    out_ref[...] = (y - mu) * lax.rsqrt(var + 1e-5) * gn_ref[...] + bbn_ref[...]


def _node_mlp(sums, cnts, x, wa, wb, wx, b1, w2, b2, gn, bbn):
    return pl.pallas_call(
        _node_body,
        out_shape=jax.ShapeDtypeStruct((N_NODES, D_FEAT), F32),
    )(sums, cnts, x, wa, wb, wx, b1, w2, b2, gn, bbn)



def kernel(x, edge_index, edge_attr, We1, be1, We2, be2, ge, bbe,
           Wn1, bn1, Wn2, bn2, gn, bbn):
    src = edge_index[0]
    dst = edge_index[1]

    xa, xb = _precompute(x, We1[:D_FEAT], We1[D_FEAT:2 * D_FEAT],
                         be1.reshape(1, -1))
    g = _gather(xa, xb, src, dst)
    edata = _edge_mlp(g, edge_attr, We1[2 * D_FEAT:], We2,
                      be2.reshape(1, -1), ge.reshape(1, -1),
                      bbe.reshape(1, -1))
    sums, cnts = _scatter(edata, src, dst)
    sums = sums[:, :N_NODES]
    cnts = cnts[:, :N_NODES]
    ndata = _node_mlp(sums, cnts, x,
                      Wn1[:D_FEAT], Wn1[D_FEAT:2 * D_FEAT], Wn1[2 * D_FEAT:],
                      bn1.reshape(1, -1), Wn2, bn2.reshape(1, -1),
                      gn.reshape(1, -1), bbn.reshape(1, -1))
    return (ndata, edata)

# --- scband reference (transcript-rebuilt; emitter-appended) ---
"""Pipeline reference for scband-message-passing-layer-86543591015027 (READ-ONLY COPY).

The authoritative reference and input builder live on the scoring server;
editing this copy changes nothing except your own understanding.
"""

import jax, jax.numpy as jnp
import numpy as np

N_NODES = 10000
N_EDGES = 320000
D_FEAT = 128
D_EDGE = 16
D_EOUT = 128
D_NOUT = 128
HIDDEN = 128


def _mlp(x, W1, b1, W2, b2, gamma, beta):
    # AugmentedMLP: Linear -> ReLU -> Linear -> LayerNorm
    h = jax.nn.relu(x @ W1 + b1)
    y = h @ W2 + b2
    mu = y.mean(-1, keepdims=True)
    var = ((y - mu) ** 2).mean(-1, keepdims=True)
    return (y - mu) / jnp.sqrt(var + 1e-5) * gamma + beta


def setup_inputs(seed: int = 0) -> dict:
    key = jax.random.key(seed)
    ks = jax.random.split(key, 16)
    x = jax.random.normal(ks[0], (N_NODES, D_FEAT), dtype=jnp.float32)
    edge_index = jax.random.randint(ks[1], (2, N_EDGES), 0, N_NODES, dtype=jnp.int32)
    edge_attr = jax.random.normal(ks[2], (N_EDGES, D_EDGE), dtype=jnp.float32)
    e_in = D_EDGE + 2 * D_FEAT  # 272
    n_in = 2 * D_EOUT + D_FEAT  # 384
    s = 0.02
    We1 = jax.random.normal(ks[3], (e_in, HIDDEN), jnp.float32) * s
    be1 = jnp.zeros((HIDDEN,), jnp.float32)
    We2 = jax.random.normal(ks[4], (HIDDEN, D_EOUT), jnp.float32) * s
    be2 = jnp.zeros((D_EOUT,), jnp.float32)
    ge = jnp.ones((D_EOUT,), jnp.float32)
    bbe = jnp.zeros((D_EOUT,), jnp.float32)
    Wn1 = jax.random.normal(ks[5], (n_in, HIDDEN), jnp.float32) * s
    bn1 = jnp.zeros((HIDDEN,), jnp.float32)
    Wn2 = jax.random.normal(ks[6], (HIDDEN, D_NOUT), jnp.float32) * s
    bn2 = jnp.zeros((D_NOUT,), jnp.float32)
    gn = jnp.ones((D_NOUT,), jnp.float32)
    bbn = jnp.zeros((D_NOUT,), jnp.float32)
    return {"x": x, "edge_index": edge_index, "edge_attr": edge_attr,
            "We1": We1, "be1": be1, "We2": We2, "be2": be2, "ge": ge, "bbe": bbe,
            "Wn1": Wn1, "bn1": bn1, "Wn2": Wn2, "bn2": bn2, "gn": gn, "bbn": bbn}


def _segment_mean(vals, ids, num_segments):
    s = jax.ops.segment_sum(vals, ids, num_segments=num_segments)
    c = jax.ops.segment_sum(jnp.ones((vals.shape[0], 1), vals.dtype), ids, num_segments=num_segments)
    return s / jnp.clip(c, 1.0)


def reference(x, edge_index, edge_attr, We1, be1, We2, be2, ge, bbe, Wn1, bn1, Wn2, bn2, gn, bbn):
    src = edge_index[0]
    dst = edge_index[1]
    # edge update (message): edge_fn(cat[src_ndata, dst_ndata, edata])
    m = jnp.concatenate([x[src], x[dst], edge_attr], axis=-1)
    edata = _mlp(m, We1, be1, We2, be2, ge, bbe)
    # node update: node_fn(cat[mean-agg by src, mean-agg by dst, ndata])
    agg_src = _segment_mean(edata, src, N_NODES)
    agg_dst = _segment_mean(edata, dst, N_NODES)
    nin = jnp.concatenate([agg_src, agg_dst, x], axis=-1)
    ndata = _mlp(nin, Wn1, bn1, Wn2, bn2, gn, bbn)
    return (ndata, edata)

if __name__ == "__main__":
    import jax
    _d = setup_inputs()
    print(jax.jit(kernel)(*tuple(_d.values())))

</pallas_src>

<mosaic_0001>
#map = affine_map<(d0, d1) -> (0, 0)>
#map1 = affine_map<(d0, d1) -> (0)>
module attributes {stable_mosaic.version = 14 : i64} {
  func.func @_gather_body(%arg0: i32, %arg1: i32, %arg2: memref<10000x128xf32, #tpu.memory_space<hbm>>, %arg3: memref<10000x128xf32, #tpu.memory_space<hbm>>, %arg4: memref<320000xi32, #tpu.memory_space<hbm>>, %arg5: memref<320000xi32, #tpu.memory_space<hbm>>, %arg6: memref<320000x128xf32, #tpu.memory_space<hbm>>, %arg7: memref<80x128xf32, #tpu.memory_space<vmem>>, %arg8: memref<80x128xf32, #tpu.memory_space<vmem>>, %arg9: memref<80xi32, #tpu.memory_space<vmem>>, %arg10: memref<80xi32, #tpu.memory_space<vmem>>, %arg11: memref<!tpu.dma_semaphore, #tpu.memory_space<semaphore_mem>>, %arg12: memref<!tpu.dma_semaphore, #tpu.memory_space<semaphore_mem>>) attributes {dimension_semantics = [#tpu.dimension_semantics<core_parallel>, #tpu.dimension_semantics<subcore_parallel>], iteration_bounds = array<i64: 2, 16>, scalar_prefetch = 0 : i64, scratch_operands = 6 : i64, tpu.core_type = #tpu.core_type<sc_vector_subcore>, window_params = [{transform_indices = #map}, {transform_indices = #map}, {transform_indices = #map1}, {transform_indices = #map1}, {transform_indices = #map}]} {
    %mul3A = arith.constant 2 : i32
    %mul3A_0 = arith.muli %arg1, %mul3A : i32
    %add3A = arith.addi %mul3A_0, %arg0 : i32
    %mul3A_1 = arith.constant 10000 : i32
    %mul3A_2 = arith.muli %add3A, %mul3A_1 : i32
    %scan3A = arith.constant 0 : i32
    %scan3A_3 = arith.constant 0 : i32
    %scan3A_4 = arith.constant 125 : i32
    %scan3A_5 = arith.addi %scan3A_3, %scan3A_4 : i32
    %scan3A_6 = arith.constant 1 : i32
    scf.for %scan3A_8 = %scan3A_3 to %scan3A_5 step %scan3A_6  : i32 {
      %mul3A_9 = arith.constant 80 : i32
      %mul3A_10 = arith.muli %scan3A_8, %mul3A_9 : i32
      %add3A_11 = arith.addi %mul3A_2, %mul3A_10 : i32
      %multiple_of3A = tpu.assume_multiple %add3A_11, 80 : i32
      "tpu.region"() ({
        %run_scoped3A = tpu.sem_alloc : memref<!tpu.dma_semaphore, #tpu.memory_space<semaphore_mem>>
        %dma_start3A_28 = tpu.memref_slice %arg4[%multiple_of3A] : memref<320000xi32, #tpu.memory_space<hbm>> -> memref<80xi32, #tpu.memory_space<hbm>>
        %dma_start3A_29 = tpu.memref_slice %arg4[%multiple_of3A] : memref<320000xi32, #tpu.memory_space<hbm>> -> memref<80xi32, #tpu.memory_space<hbm>>
        tpu.enqueue_dma source(%dma_start3A_29 : memref<80xi32, #tpu.memory_space<hbm>>) target(%arg9 : memref<80xi32, #tpu.memory_space<vmem>>) target_semaphore(%run_scoped3A : memref<!tpu.dma_semaphore, #tpu.memory_space<semaphore_mem>>)
        %dma_wait3A_30 = tpu.memref_slice %arg4[%multiple_of3A] : memref<320000xi32, #tpu.memory_space<hbm>> -> memref<80xi32, #tpu.memory_space<hbm>>
        %dma_wait3A_31 = tpu.memref_slice %arg4[%multiple_of3A] : memref<320000xi32, #tpu.memory_space<hbm>> -> memref<80xi32, #tpu.memory_space<hbm>>
        tpu.wait_dma2 semaphore(%run_scoped3A : memref<!tpu.dma_semaphore, #tpu.memory_space<semaphore_mem>>) src(%dma_wait3A_31 : memref<80xi32, #tpu.memory_space<hbm>>) dst(%arg9 : memref<80xi32, #tpu.memory_space<vmem>>)
        tpu.yield
      }) : () -> ()
      "tpu.region"() ({
        %run_scoped3A = tpu.sem_alloc : memref<!tpu.dma_semaphore, #tpu.memory_space<semaphore_mem>>
        %dma_start3A_28 = tpu.memref_slice %arg5[%multiple_of3A] : memref<320000xi32, #tpu.memory_space<hbm>> -> memref<80xi32, #tpu.memory_space<hbm>>
        %dma_start3A_29 = tpu.memref_slice %arg5[%multiple_of3A] : memref<320000xi32, #tpu.memory_space<hbm>> -> memref<80xi32, #tpu.memory_space<hbm>>
        tpu.enqueue_dma source(%dma_start3A_29 : memref<80xi32, #tpu.memory_space<hbm>>) target(%arg10 : memref<80xi32, #tpu.memory_space<vmem>>) target_semaphore(%run_scoped3A : memref<!tpu.dma_semaphore, #tpu.memory_space<semaphore_mem>>)
        %dma_wait3A_30 = tpu.memref_slice %arg5[%multiple_of3A] : memref<320000xi32, #tpu.memory_space<hbm>> -> memref<80xi32, #tpu.memory_space<hbm>>
        %dma_wait3A_31 = tpu.memref_slice %arg5[%multiple_of3A] : memref<320000xi32, #tpu.memory_space<hbm>> -> memref<80xi32, #tpu.memory_space<hbm>>
        tpu.wait_dma2 semaphore(%run_scoped3A : memref<!tpu.dma_semaphore, #tpu.memory_space<semaphore_mem>>) src(%dma_wait3A_31 : memref<80xi32, #tpu.memory_space<hbm>>) dst(%arg10 : memref<80xi32, #tpu.memory_space<vmem>>)
        tpu.yield
      }) : () -> ()
      %dma_start3A = arith.constant 0 : i32
      %dma_start3A_12 = arith.constant 0 : i32
      %dma_start3A_13 = tpu.memref_slice %arg2[%dma_start3A, %dma_start3A_12] : memref<10000x128xf32, #tpu.memory_space<hbm>> -> memref<10000x128xf32, #tpu.memory_space<hbm>>
      tpu.enqueue_indirect_dma source(%dma_start3A_13 : memref<10000x128xf32, #tpu.memory_space<hbm>>) target(%arg7 : memref<80x128xf32, #tpu.memory_space<vmem>>) offsets(%arg9 : memref<80xi32, #tpu.memory_space<vmem>>) semaphore(%arg11 : memref<!tpu.dma_semaphore, #tpu.memory_space<semaphore_mem>>)
      %dma_start3A_14 = arith.constant 0 : i32
      %dma_start3A_15 = arith.constant 0 : i32
      %dma_start3A_16 = tpu.memref_slice %arg3[%dma_start3A_14, %dma_start3A_15] : memref<10000x128xf32, #tpu.memory_space<hbm>> -> memref<10000x128xf32, #tpu.memory_space<hbm>>
      tpu.enqueue_indirect_dma source(%dma_start3A_16 : memref<10000x128xf32, #tpu.memory_space<hbm>>) target(%arg8 : memref<80x128xf32, #tpu.memory_space<vmem>>) offsets(%arg10 : memref<80xi32, #tpu.memory_space<vmem>>) semaphore(%arg12 : memref<!tpu.dma_semaphore, #tpu.memory_space<semaphore_mem>>)
      %dma_wait3A = arith.constant 0 : i32
      %dma_wait3A_17 = arith.constant 0 : i32
      %dma_wait3A_18 = tpu.memref_slice %arg2[%dma_wait3A, %dma_wait3A_17] : memref<10000x128xf32, #tpu.memory_space<hbm>> -> memref<10000x128xf32, #tpu.memory_space<hbm>>
      tpu.wait_indirect_dma semaphore(%arg11 : memref<!tpu.dma_semaphore, #tpu.memory_space<semaphore_mem>>) src(%dma_wait3A_18 : memref<10000x128xf32, #tpu.memory_space<hbm>>) dst(%arg7 : memref<80x128xf32, #tpu.memory_space<vmem>>)
      %dma_wait3A_19 = arith.constant 0 : i32
      %dma_wait3A_20 = arith.constant 0 : i32
      %dma_wait3A_21 = tpu.memref_slice %arg3[%dma_wait3A_19, %dma_wait3A_20] : memref<10000x128xf32, #tpu.memory_space<hbm>> -> memref<10000x128xf32, #tpu.memory_space<hbm>>
      tpu.wait_indirect_dma semaphore(%arg12 : memref<!tpu.dma_semaphore, #tpu.memory_space<semaphore_mem>>) src(%dma_wait3A_21 : memref<10000x128xf32, #tpu.memory_space<hbm>>) dst(%arg8 : memref<80x128xf32, #tpu.memory_space<vmem>>)
      %scan3A_22 = arith.constant 0 : i32
      %scan3A_23 = arith.constant 0 : i32
      %scan3A_24 = arith.constant 80 : i32
      %scan3A_25 = arith.addi %scan3A_23, %scan3A_24 : i32
      %scan3A_26 = arith.constant 1 : i32
      scf.for %scan3A_28 = %scan3A_23 to %scan3A_25 step %scan3A_26  : i32 {
        %get3A = arith.index_cast %scan3A_28 : i32 to index
        %get3A_29 = arith.constant 0 : index
        %get3A_30 = tpu.vector_load %arg7[%get3A, %get3A_29] {strides = array<i32>} : memref<80x128xf32, #tpu.memory_space<vmem>>, vector<1x16xf32>,
        %get3A_31 = vector.shape_cast %get3A_30 : vector<1x16xf32> to vector<16xf32>
        %get3A_32 = arith.index_cast %scan3A_28 : i32 to index
        %get3A_33 = arith.constant 0 : index
        %get3A_34 = tpu.vector_load %arg8[%get3A_32, %get3A_33] {strides = array<i32>} : memref<80x128xf32, #tpu.memory_space<vmem>>, vector<1x16xf32>,
        %get3A_35 = vector.shape_cast %get3A_34 : vector<1x16xf32> to vector<16xf32>
        %add3A_36 = arith.addf %get3A_31, %get3A_35 : vector<16xf32>
        %swap3A = arith.index_cast %scan3A_28 : i32 to index
        %swap3A_37 = arith.constant 0 : index
        %swap3A_38 = tpu.vector_load %arg7[%swap3A, %swap3A_37] {strides = array<i32>} : memref<80x128xf32, #tpu.memory_space<vmem>>, vector<1x16xf32>,
        %swap3A_39 = vector.shape_cast %swap3A_38 : vector<1x16xf32> to vector<16xf32>
        %swap3A_40 = vector.shape_cast %add3A_36 : vector<16xf32> to vector<1x16xf32>
        tpu.vector_store %arg7[%swap3A, %swap3A_37], %swap3A_40 {strides = array<i32>} : memref<80x128xf32, #tpu.memory_space<vmem>>, vector<1x16xf32>,
        %get3A_41 = arith.index_cast %scan3A_28 : i32 to index
        %get3A_42 = arith.constant 16 : index
        %get3A_43 = tpu.vector_load %arg7[%get3A_41, %get3A_42] {strides = array<i32>} : memref<80x128xf32, #tpu.memory_space<vmem>>, vector<1x16xf32>,
        %get3A_44 = vector.shape_cast %get3A_43 : vector<1x16xf32> to vector<16xf32>
        %get3A_45 = arith.index_cast %scan3A_28 : i32 to index
        %get3A_46 = arith.constant 16 : index
        %get3A_47 = tpu.vector_load %arg8[%get3A_45, %get3A_46] {strides = array<i32>} : memref<80x128xf32, #tpu.memory_space<vmem>>, vector<1x16xf32>,
        %get3A_48 = vector.shape_cast %get3A_47 : vector<1x16xf32> to vector<16xf32>
        %add3A_49 = arith.addf %get3A_44, %get3A_48 : vector<16xf32>
        %swap3A_50 = arith.index_cast %scan3A_28 : i32 to index
        %swap3A_51 = arith.constant 16 : index
        %swap3A_52 = tpu.vector_load %arg7[%swap3A_50, %swap3A_51] {strides = array<i32>} : memref<80x128xf32, #tpu.memory_space<vmem>>, vector<1x16xf32>,
        %swap3A_53 = vector.shape_cast %swap3A_52 : vector<1x16xf32> to vector<16xf32>
        %swap3A_54 = vector.shape_cast %add3A_49 : vector<16xf32> to vector<1x16xf32>
        tpu.vector_store %arg7[%swap3A_50, %swap3A_51], %swap3A_54 {strides = array<i32>} : memref<80x128xf32, #tpu.memory_space<vmem>>, vector<1x16xf32>,
        %get3A_55 = arith.index_cast %scan3A_28 : i32 to index
        %get3A_56 = arith.constant 32 : index
        %get3A_57 = tpu.vector_load %arg7[%get3A_55, %get3A_56] {strides = array<i32>} : memref<80x128xf32, #tpu.memory_space<vmem>>, vector<1x16xf32>,
        %get3A_58 = vector.shape_cast %get3A_57 : vector<1x16xf32> to vector<16xf32>
        %get3A_59 = arith.index_cast %scan3A_28 : i32 to index
        %get3A_60 = arith.constant 32 : index
        %get3A_61 = tpu.vector_load %arg8[%get3A_59, %get3A_60] {strides = array<i32>} : memref<80x128xf32, #tpu.memory_space<vmem>>, vector<1x16xf32>,
        %get3A_62 = vector.shape_cast %get3A_61 : vector<1x16xf32> to vector<16xf32>
        %add3A_63 = arith.addf %get3A_58, %get3A_62 : vector<16xf32>
        %swap3A_64 = arith.index_cast %scan3A_28 : i32 to index
        %swap3A_65 = arith.constant 32 : index
        %swap3A_66 = tpu.vector_load %arg7[%swap3A_64, %swap3A_65] {strides = array<i32>} : memref<80x128xf32, #tpu.memory_space<vmem>>, vector<1x16xf32>,
        %swap3A_67 = vector.shape_cast %swap3A_66 : vector<1x16xf32> to vector<16xf32>
        %swap3A_68 = vector.shape_cast %add3A_63 : vector<16xf32> to vector<1x16xf32>
        tpu.vector_store %arg7[%swap3A_64, %swap3A_65], %swap3A_68 {strides = array<i32>} : memref<80x128xf32, #tpu.memory_space<vmem>>, vector<1x16xf32>,
        %get3A_69 = arith.index_cast %scan3A_28 : i32 to index
        %get3A_70 = arith.constant 48 : index
        %get3A_71 = tpu.vector_load %arg7[%get3A_69, %get3A_70] {strides = array<i32>} : memref<80x128xf32, #tpu.memory_space<vmem>>, vector<1x16xf32>,
        %get3A_72 = vector.shape_cast %get3A_71 : vector<1x16xf32> to vector<16xf32>
        %get3A_73 = arith.index_cast %scan3A_28 : i32 to index
        %get3A_74 = arith.constant 48 : index
        %get3A_75 = tpu.vector_load %arg8[%get3A_73, %get3A_74] {strides = array<i32>} : memref<80x128xf32, #tpu.memory_space<vmem>>, vector<1x16xf32>,
        %get3A_76 = vector.shape_cast %get3A_75 : vector<1x16xf32> to vector<16xf32>
        %add3A_77 = arith.addf %get3A_72, %get3A_76 : vector<16xf32>
        %swap3A_78 = arith.index_cast %scan3A_28 : i32 to index
        %swap3A_79 = arith.constant 48 : index
        %swap3A_80 = tpu.vector_load %arg7[%swap3A_78, %swap3A_79] {strides = array<i32>} : memref<80x128xf32, #tpu.memory_space<vmem>>, vector<1x16xf32>,
        %swap3A_81 = vector.shape_cast %swap3A_80 : vector<1x16xf32> to vector<16xf32>
        %swap3A_82 = vector.shape_cast %add3A_77 : vector<16xf32> to vector<1x16xf32>
        tpu.vector_store %arg7[%swap3A_78, %swap3A_79], %swap3A_82 {strides = array<i32>} : memref<80x128xf32, #tpu.memory_space<vmem>>, vector<1x16xf32>,
        %get3A_83 = arith.index_cast %scan3A_28 : i32 to index
        %get3A_84 = arith.constant 64 : index
        %get3A_85 = tpu.vector_load %arg7[%get3A_83, %get3A_84] {strides = array<i32>} : memref<80x128xf32, #tpu.memory_space<vmem>>, vector<1x16xf32>,
        %get3A_86 = vector.shape_cast %get3A_85 : vector<1x16xf32> to vector<16xf32>
        %get3A_87 = arith.index_cast %scan3A_28 : i32 to index
        %get3A_88 = arith.constant 64 : index
        %get3A_89 = tpu.vector_load %arg8[%get3A_87, %get3A_88] {strides = array<i32>} : memref<80x128xf32, #tpu.memory_space<vmem>>, vector<1x16xf32>,
        %get3A_90 = vector.shape_cast %get3A_89 : vector<1x16xf32> to vector<16xf32>
        %add3A_91 = arith.addf %get3A_86, %get3A_90 : vector<16xf32>
        %swap3A_92 = arith.index_cast %scan3A_28 : i32 to index
        %swap3A_93 = arith.constant 64 : index
        %swap3A_94 = tpu.vector_load %arg7[%swap3A_92, %swap3A_93] {strides = array<i32>} : memref<80x128xf32, #tpu.memory_space<vmem>>, vector<1x16xf32>,
        %swap3A_95 = vector.shape_cast %swap3A_94 : vector<1x16xf32> to vector<16xf32>
        %swap3A_96 = vector.shape_cast %add3A_91 : vector<16xf32> to vector<1x16xf32>
        tpu.vector_store %arg7[%swap3A_92, %swap3A_93], %swap3A_96 {strides = array<i32>} : memref<80x128xf32, #tpu.memory_space<vmem>>, vector<1x16xf32>,
        %get3A_97 = arith.index_cast %scan3A_28 : i32 to index
        %get3A_98 = arith.constant 80 : index
        %get3A_99 = tpu.vector_load %arg7[%get3A_97, %get3A_98] {strides = array<i32>} : memref<80x128xf32, #tpu.memory_space<vmem>>, vector<1x16xf32>,
        %get3A_100 = vector.shape_cast %get3A_99 : vector<1x16xf32> to vector<16xf32>
        %get3A_101 = arith.index_cast %scan3A_28 : i32 to index
        %get3A_102 = arith.constant 80 : index
        %get3A_103 = tpu.vector_load %arg8[%get3A_101, %get3A_102] {strides = array<i32>} : memref<80x128xf32, #tpu.memory_space<vmem>>, vector<1x16xf32>,
        %get3A_104 = vector.shape_cast %get3A_103 : vector<1x16xf32> to vector<16xf32>
        %add3A_105 = arith.addf %get3A_100, %get3A_104 : vector<16xf32>
        %swap3A_106 = arith.index_cast %scan3A_28 : i32 to index
        %swap3A_107 = arith.constant 80 : index
        %swap3A_108 = tpu.vector_load %arg7[%swap3A_106, %swap3A_107] {strides = array<i32>} : memref<80x128xf32, #tpu.memory_space<vmem>>, vector<1x16xf32>,
        %swap3A_109 = vector.shape_cast %swap3A_108 : vector<1x16xf32> to vector<16xf32>
        %swap3A_110 = vector.shape_cast %add3A_105 : vector<16xf32> to vector<1x16xf32>
        tpu.vector_store %arg7[%swap3A_106, %swap3A_107], %swap3A_110 {strides = array<i32>} : memref<80x128xf32, #tpu.memory_space<vmem>>, vector<1x16xf32>,
        %get3A_111 = arith.index_cast %scan3A_28 : i32 to index
        %get3A_112 = arith.constant 96 : index
        %get3A_113 = tpu.vector_load %arg7[%get3A_111, %get3A_112] {strides = array<i32>} : memref<80x128xf32, #tpu.memory_space<vmem>>, vector<1x16xf32>,
        %get3A_114 = vector.shape_cast %get3A_113 : vector<1x16xf32> to vector<16xf32>
        %get3A_115 = arith.index_cast %scan3A_28 : i32 to index
        %get3A_116 = arith.constant 96 : index
        %get3A_117 = tpu.vector_load %arg8[%get3A_115, %get3A_116] {strides = array<i32>} : memref<80x128xf32, #tpu.memory_space<vmem>>, vector<1x16xf32>,
        %get3A_118 = vector.shape_cast %get3A_117 : vector<1x16xf32> to vector<16xf32>
        %add3A_119 = arith.addf %get3A_114, %get3A_118 : vector<16xf32>
        %swap3A_120 = arith.index_cast %scan3A_28 : i32 to index
        %swap3A_121 = arith.constant 96 : index
        %swap3A_122 = tpu.vector_load %arg7[%swap3A_120, %swap3A_121] {strides = array<i32>} : memref<80x128xf32, #tpu.memory_space<vmem>>, vector<1x16xf32>,
        %swap3A_123 = vector.shape_cast %swap3A_122 : vector<1x16xf32> to vector<16xf32>
        %swap3A_124 = vector.shape_cast %add3A_119 : vector<16xf32> to vector<1x16xf32>
        tpu.vector_store %arg7[%swap3A_120, %swap3A_121], %swap3A_124 {strides = array<i32>} : memref<80x128xf32, #tpu.memory_space<vmem>>, vector<1x16xf32>,
        %get3A_125 = arith.index_cast %scan3A_28 : i32 to index
        %get3A_126 = arith.constant 112 : index
        %get3A_127 = tpu.vector_load %arg7[%get3A_125, %get3A_126] {strides = array<i32>} : memref<80x128xf32, #tpu.memory_space<vmem>>, vector<1x16xf32>,
        %get3A_128 = vector.shape_cast %get3A_127 : vector<1x16xf32> to vector<16xf32>
        %get3A_129 = arith.index_cast %scan3A_28 : i32 to index
        %get3A_130 = arith.constant 112 : index
        %get3A_131 = tpu.vector_load %arg8[%get3A_129, %get3A_130] {strides = array<i32>} : memref<80x128xf32, #tpu.memory_space<vmem>>, vector<1x16xf32>,
        %get3A_132 = vector.shape_cast %get3A_131 : vector<1x16xf32> to vector<16xf32>
        %add3A_133 = arith.addf %get3A_128, %get3A_132 : vector<16xf32>
        %swap3A_134 = arith.index_cast %scan3A_28 : i32 to index
        %swap3A_135 = arith.constant 112 : index
        %swap3A_136 = tpu.vector_load %arg7[%swap3A_134, %swap3A_135] {strides = array<i32>} : memref<80x128xf32, #tpu.memory_space<vmem>>, vector<1x16xf32>,
        %swap3A_137 = vector.shape_cast %swap3A_136 : vector<1x16xf32> to vector<16xf32>
        %swap3A_138 = vector.shape_cast %add3A_133 : vector<16xf32> to vector<1x16xf32>
        tpu.vector_store %arg7[%swap3A_134, %swap3A_135], %swap3A_138 {strides = array<i32>} : memref<80x128xf32, #tpu.memory_space<vmem>>, vector<1x16xf32>,
      }
      %scan3A_27 = arith.constant 80 : i32
      "tpu.region"() ({
        %run_scoped3A = tpu.sem_alloc : memref<!tpu.dma_semaphore, #tpu.memory_space<semaphore_mem>>
        %dma_start3A_28 = arith.constant 0 : i32
        %dma_start3A_29 = tpu.memref_slice %arg6[%multiple_of3A, %dma_start3A_28] : memref<320000x128xf32, #tpu.memory_space<hbm>> -> memref<80x128xf32, #tpu.memory_space<hbm>>
        %dma_start3A_30 = arith.constant 0 : i32
        %dma_start3A_31 = tpu.memref_slice %arg6[%multiple_of3A, %dma_start3A_30] : memref<320000x128xf32, #tpu.memory_space<hbm>> -> memref<80x128xf32, #tpu.memory_space<hbm>>
        tpu.enqueue_dma source(%arg7 : memref<80x128xf32, #tpu.memory_space<vmem>>) target(%dma_start3A_31 : memref<80x128xf32, #tpu.memory_space<hbm>>) target_semaphore(%run_scoped3A : memref<!tpu.dma_semaphore, #tpu.memory_space<semaphore_mem>>)
        %dma_wait3A_32 = arith.constant 0 : i32
        %dma_wait3A_33 = tpu.memref_slice %arg6[%multiple_of3A, %dma_wait3A_32] : memref<320000x128xf32, #tpu.memory_space<hbm>> -> memref<80x128xf32, #tpu.memory_space<hbm>>
        %dma_wait3A_34 = arith.constant 0 : i32
        %dma_wait3A_35 = tpu.memref_slice %arg6[%multiple_of3A, %dma_wait3A_34] : memref<320000x128xf32, #tpu.memory_space<hbm>> -> memref<80x128xf32, #tpu.memory_space<hbm>>
        tpu.wait_dma2 semaphore(%run_scoped3A : memref<!tpu.dma_semaphore, #tpu.memory_space<semaphore_mem>>) src(%arg7 : memref<80x128xf32, #tpu.memory_space<vmem>>) dst(%dma_wait3A_35 : memref<80x128xf32, #tpu.memory_space<hbm>>)
        tpu.yield
      }) : () -> ()
    }
    %scan3A_7 = arith.constant 125 : i32
    return
  }
}

</mosaic_0001>

<sc_bundles>
// kernel: _gather.3.cloned.1.call-start
scs
__scs_entry_jumppad:
0x0: {  	(pc) =	sbr.rel $0x88, $3  }
0x1: {  	(tag) =	ssettag $0x0;
	lr =	simm.s32 $0x1  }
0x2: {  	[smem:$0x3F9D] =	sst lr;
	_ =	strace $0xD0000000  }
0x3: {  	_ = 	snop  }
0x4: {  	_ = 	snop  }
0x5: {  	_ = 	snop  }
0x6: {  	_ = 	snop  }
0x7: {  	_ = 	snop  }
__scs_overlays_trampoline_lowered:
0x8: {  	[smem:$0x3FAC] =	sst s0  }
0x9: {  	[smem:$0x3FAD] =	sst s1  }
0xa: {  	[smem:$0x3FAE] =	sst s2  }
0xb: {  	[smem:$0x3FAF] =	sst s3  }
0xc: {  	[smem:$0x3FB0] =	sst s4  }
0xd: {  	[smem:$0x3FB1] =	sst s5  }
0xe: {  	[smem:$0x3FB2] =	sst s6  }
0xf: {  	[smem:$0x3FB3] =	sst s7  }
0x10: {  	[smem:$0x3FB4] =	sst s8  }
0x11: {  	[smem:$0x3FB5] =	sst s9;
	s0 =	simm.s32 @!p0 $0x0  }
0x12: {  	s1 =	sld [smem:$0x3F9B];
	s0 =	simm.s32 @p0 $0x1  }
0x13: {  	[smem:$0x3FB6] =	sst s0;
	s0 =	simm.s32 @!p1 $0x0  }
0x14: {  	s2 =	sld [smem:$0x3F9A];
	s0 =	simm.s32 @p1 $0x1  }
0x15: {  	[smem:$0x3FB7] =	sst s0;
	s0 =	simm.s32 @!p2 $0x0  }
0x16: {  	s3 =	sld [smem:$0x3FDB];
	s0 =	simm.s32 @p2 $0x1  }
0x17: {  	s4 =	simm.s32 $0x1BF5;
	[smem:$0x3FB9] =	sst s0  }
0x18: {  	s0 =	sld [smem:$0x3F9C];
	_ =	swait.ge [sflag:s4], $0x0  }
0x19: {  	s7 =	sld [smem:$0x3F9D]  }
0x1a: {  	s8 =	sadd.s32 $0xFFFFE003, lr  }
0x1b: {  	s9 =	sadd.s32 $0xFFFFFEF7, lr;
	s5 =	simm.s32 $0xFFFFFFFF;
	p2 =	slt.u32 s8, $0xFFFFF086  }
0x1c: {  	p1 =	slt.u32 s9, $0xF7A;
	s5 =	simm.s32 @!p2 $0x0  }
0x1d: {  	s5 =	simm.s32 @p1 $0x1;
	p0 =	seq.s32 s7, s2  }
0x1e: {  	s7 =	smul.u32 @!p0 $0xF7A, s2;
	p2 =	seq.s32 @!p0 s5, $0x0  }
0x1f: {  	s9 =	smul.u32 $0xF7A, s1;
	s8 =	simm.s32 @!p0 $0x1BF5;
	p2 =	por !p2, p0  }
0x20: {  	[sflag:s8] =	ssyncset.s32 @!p0 $0xFFFFF086;
	s6 =	sadd.s32 @!p0 s3, s7;
	s7 =	simm.s32 @!p0 $0x108  }
0x21: {  	s3 =	sadd.s32 s3, s9;
	s6 =	sadd.s32 @!p0 $0x88, s6;
	s7 =	simm.s32 @p2 $0x1082  }
0x22: {  	[simem:s7], [sflag:s8] =	dma.local @!p0 [hbm:s6], $0xF7A  }
0x23: {  	s9 =	sor.u32 $0xD0000000, s2;
	s6 =	simm.s32 $0x108;
	_ =	swait.ge @!p0 [sflag:s8], $0x0  }
0x24: {  	s3 =	sadd.s32 $0x88, s3;
	s6 =	simm.s32 @!p1 $0x1082;
	[sflag:s4] =	ssyncset.s32 $0xFFFFF086  }
0x25: {  	[simem:s6], [sflag:s4] =	dma.local [hbm:s3], $0xF7A  }
0x26: {  	[smem:$0x3F9D] =	sst s1;
	(tag) =	ssettag s2;
	_ =	strace s9  }
0x27: {  	s1 =	sld [smem:$0x3FAD]  }
0x28: {  	s2 =	sld [smem:$0x3FAE]  }
0x29: {  	s4 =	sld [smem:$0x3FB0]  }
0x2a: {  	p0 =	seq.s32 s5, $0x0;
	s5 =	sld [smem:$0x3FB1]  }
0x2b: {  	s6 =	sld [smem:$0x3FB2]  }
0x2c: {  	s7 =	sld [smem:$0x3FB3]  }
0x2d: {  	s3 =	simm.s32 $0x108;
	s8 =	sld [smem:$0x3FB4]  }
0x2e: {  	s3 =	simm.s32 @!p0 $0x1082;
	s9 =	sld [smem:$0x3FB5]  }
0x2f: {  	lr =	sadd.s32 s0, s3;
	s0 =	sld [smem:$0x3FAC]  }
0x30: {  	s3 =	sld [smem:$0x3FAF]  }
0x31: {  	[smem:$0x3FB8] =	sst s10  }
0x32: {  	s10 =	sld [smem:$0x3FB6];
	_ =	sdelay $0x3  }
0x33: {  	p0 =	seq.s32 s10, $0x1;
	s10 =	sld [smem:$0x3FB8];
	_ =	sdelay $0x3  }
0x34: {  	[smem:$0x3FB8] =	sst s10  }
0x35: {  	s10 =	sld [smem:$0x3FB7];
	_ =	sdelay $0x3  }
0x36: {  	p1 =	seq.s32 s10, $0x1;
	s10 =	sld [smem:$0x3FB8];
	_ =	sdelay $0x3  }
0x37: {  	[smem:$0x3FB8] =	sst s10  }
0x38: {  	s10 =	sld [smem:$0x3FB9]  }
0x39: {  	_ = 	snop;
	(pc) =	sbr.ind lr, $3  }
0x3a: {  	_ = 	snop  }
0x3b: {  	_ = 	snop  }
0x3c: {  	p2 =	seq.s32 s10, $0x1;
	s10 =	sld [smem:$0x3FB8]  }
0x3d: {  	_ =	shalt  }
0x3e: {  	_ =	shalt  }
0x3f: {  	_ =	shalt  }
0x40: {  	_ =	shalt  }
0x41: {  	_ =	shalt  }
0x42: {  	_ =	shalt  }
0x43: {  	_ =	shalt  }
0x44: {  	_ =	shalt  }
0x45: {  	_ =	shalt  }
0x46: {  	_ =	shalt  }
0x47: {  	_ =	shalt  }
0x48: {  	_ =	shalt  }
0x49: {  	_ =	shalt  }
0x4a: {  	_ =	shalt  }
0x4b: {  	_ =	shalt  }
0x4c: {  	_ =	shalt  }
0x4d: {  	_ =	shalt  }
0x4e: {  	_ =	shalt  }
0x4f: {  	_ =	shalt  }
0x50: {  	_ =	shalt  }
0x51: {  	_ =	shalt  }
0x52: {  	_ =	shalt  }
0x53: {  	_ =	shalt  }
0x54: {  	_ =	shalt  }
0x55: {  	_ =	shalt  }
0x56: {  	_ =	shalt  }
0x57: {  	_ =	shalt  }
0x58: {  	_ =	shalt  }
0x59: {  	_ =	shalt  }
0x5a: {  	_ =	shalt  }
0x5b: {  	_ =	shalt  }
0x5c: {  	_ =	shalt  }
0x5d: {  	_ =	shalt  }
0x5e: {  	_ =	shalt  }
0x5f: {  	_ =	shalt  }
0x60: {  	_ =	shalt  }
0x61: {  	_ =	shalt  }
0x62: {  	_ =	shalt  }
0x63: {  	_ =	shalt  }
0x64: {  	_ =	shalt  }
0x65: {  	_ =	shalt  }
0x66: {  	_ =	shalt  }
0x67: {  	_ =	shalt  }
0x68: {  	_ =	shalt  }
0x69: {  	_ =	shalt  }
0x6a: {  	_ =	shalt  }
0x6b: {  	_ =	shalt  }
0x6c: {  	_ =	shalt  }
0x6d: {  	_ =	shalt  }
0x6e: {  	_ =	shalt  }
0x6f: {  	_ =	shalt  }
0x70: {  	_ =	shalt  }
0x71: {  	_ =	shalt  }
0x72: {  	_ =	shalt  }
0x73: {  	_ =	shalt  }
0x74: {  	_ =	shalt  }
0x75: {  	_ =	shalt  }
0x76: {  	_ =	shalt  }
0x77: {  	_ =	shalt  }
0x78: {  	_ =	shalt  }
0x79: {  	_ =	shalt  }
0x7a: {  	_ =	shalt  }
0x7b: {  	_ =	shalt  }
0x7c: {  	_ =	shalt  }
0x7d: {  	_ =	shalt  }
0x7e: {  	_ =	shalt  }
0x7f: {  	_ =	shalt  }
0x80: {  	_ =	shalt  }
0x81: {  	_ =	shalt  }
0x82: {  	_ =	shalt  }
0x83: {  	_ =	shalt  }
0x84: {  	_ =	shalt  }
0x85: {  	_ =	shalt  }
0x86: {  	_ =	shalt  }
0x87: {  	_ =	shalt  }
.Lfunc_end0:
.L_simem_size_0:
called_computation_lowered:
.L_overlay_start_0:
0x88: {  	s2 =	sld [smem:$0x3FD9]  }
0x89: {  	s3 =	sld [smem:$0x3FFE];
	_ =	sdelay $0x1  }
0x8a: {  	s1 =	srdreg.scid  }
0x8b: {  	s0 =	sand.u32 $0x1, s1  }
0x8c: {  	s18 =	sshll.u32 s0, $0xA;
	s2 =	sadd.s32 s3, s2  }
0x8d: {  	s2 =	sadd.s32 s2, s18  }
0x8e: {  	[smem:$0x3FC4] =	sst s2  }
0x8f: {  	_ = 	snop  }
0x90: {  	s2 =	sld [smem:$0x3FC9]  }
0x91: {  	s19 =	sld [smem:$0x3FC8]  }
0x92: {  	s4 =	sld [smem:$0x3FC7]  }
0x93: {  	s5 =	sld [smem:$0x3FC6]  }
0x94: {  	s6 =	sld [smem:$0x3FD0];
	(tm) =	ssettm $0x1  }
0x95: {  	s7 =	sld [smem:$0x3FFB];
	_ =	sdelay $0x3  }
0x96: {  	_ =	strace s7  }
0x97: {  	s7 =	sld [smem:$0x3FFC];
	_ =	sdelay $0x3  }
0x98: {  	_ =	strace s7  }
0x99: {  	s7 =	sld [smem:$0x3FFD];
	_ =	sdelay $0x3  }
0x9a: {  	_ =	strace s7  }
0x9b: {  	_ =	strace $0x8FFFFFFF  }
0x9c: {  	s20 =	sld [smem:$0x3FDB];
	_ =	sdelay $0x1  }
0x9d: {  	s8 =	simm.s32 $_scs_section_size  }
0x9e: {  	s9 =	simm.s32 $_size__tile_overlayer_lowered;
	s10 =	simm.s32 $_tile_overlayer_lowered  }
0x9f: {  	s23 =	simm.s32 $0x1BFF;
	s22 =	sshll.u32 s10, $0x1;
	s7 =	sadd.s32 s8, s20  }
0xa0: {  	s11 =	simm.s32 $0x0;
	s21 =	sshll.u32 s9, $0x1;
	s9 =	sadd.s32 s22, s7  }
0xa1: {  	[timem:s11], [sflag:s23] =	dma.local [hbm:s9], s21  }
0xa2: {  	_ =	swait.ge [sflag:s23], s21  }
0xa3: {  	s8 =	ssub.s32 $0x0, s21;
	[sflag:s23] =	ssyncset.done $0x0  }
0xa4: {  	[sflag:s23] =	ssyncadd.s32 s8;
	_ =	sdelay $0x1  }
0xa5: {  	s24 =	simm.s32 $0x1B8B  }
0xa6: {  	_ =	swait.ge [sflag:s24], $0x1  }
0xa7: {  	[sflag:s24] =	ssyncset.done $0x0  }
0xa8: {  	s25 =	simm.s32 $0x1B8E;
	[sflag:s24] =	ssyncadd.s32 $0xFFFFFFFF  }
0xa9: {  	s26 =	simm.s32 $execute0_lowered;
	[smem:$0x3FD2] =	sst s25  }
0xaa: {  	s8 =	sshll.u32 s26, $0x1;
	_ =	strace $0x80000046;
	[dreg:$0x1] =	wrdreg $0xFFFFFFFF  }
0xab: {  	s28 =	simm.s32 $_size_execute0_lowered;
	s7 =	sadd.s32 s7, s8;
	[dreg:$0x0] =	wrdreg $0x0  }
0xac: {  	s8 =	sshll.u32 s28, $0x1;
	[dreg:$0x2] =	wrdreg s7  }
0xad: {  	[dreg:$0x3] =	wrdreg s8  }
0xae: {  	[dreg:$0x4] =	wrdreg $0xC0  }
0xaf: {  	_ =	task [dreg:s11], $0x5FFFF  }
0xb0: {  	[dreg:$0x1] =	wrdreg $0xFFFFFFFF  }
0xb1: {  	[dreg:$0x0] =	wrdreg $0x60  }
0xb2: {  	[dreg:$0x2] =	wrdreg s2  }
0xb3: {  	[dreg:$0x3] =	wrdreg s19  }
0xb4: {  	[dreg:$0x4] =	wrdreg s4  }
0xb5: {  	[dreg:$0x5] =	wrdreg s5  }
0xb6: {  	[dreg:$0x6] =	wrdreg s6  }
0xb7: {  	[dreg:$0x7] =	wrdreg $0x9  }
0xb8: {  	_ =	task.clear_ibuf [dreg:s11], $0x8FFFF;
	_ =	strace $0x90000046  }
0xb9: {  	s29 =	simm.s32 $0x9;
	_ =	strace $0x80000048  }
0xba: {  	_ =	swait.ge [sflag:s29], $0x1  }
0xbb: {  	[sflag:s29] =	ssyncadd.s32 $0xFFFFFFFF  }
0xbc: {  	_ =	strace $0x90000048  }
0xbd: {  	_ =	sfence  }
0xbe: {  	s30 =	sld [smem:$0x0];
	_ =	sdelay $0x2  }
0xbf: {  	s31 =	sshll.u32 s1, $0xD;
	s1 =	sshrl.u32 s1, $0x2  }
0xc0: {  	s3 =	sand.u32 $0x4000, s31;
	s1 =	sadd.s32 s1, s30  }
0xc1: {  	s0 =	sor.u32 s3, s0;
	s1 =	sshll.u32 s1, $0x11  }
0xc2: {  	s0 =	sor.u32 s1, s0  }
0xc3: {  	s0 =	sadd.s32 $0x8F2B, s0  }
0xc4: {  	[sflag:s0] =	ssyncadd.remote.s32 $0x1  }
0xc5: {  	_ =	sfence.sel $0xFFFF  }
0xc6: {  	[dreg:$0x0] =	wrdreg $0xFFFFFFFF;
	(pc) =	sbr.abs _section_cstart, $3  }
0xc7: {  	[dreg:$0x1] =	wrdreg $0xFFFFFFFF  }
0xc8: {  	_ =	task.clear_ibuf [dreg:s11], $0x2FFFF;
	_ =	strace $0x9FFFFFFF  }
0xc9: {  	(tm) =	ssettm $0x7FFFFFFF  }
tec
execute0_lowered:
.L_overlay_start_1:
0x0: {  	(tag) =	ssettag $0x1  }
0x1: {  	s1 =	rddreg [dreg:$0x0]  }
0x2: {  	s2 =	rddreg [dreg:$0x1]  }
0x3: {  	s3 =	rddreg [dreg:$0x2]  }
0x4: {  	s5 =	rddreg [dreg:$0x3]  }
0x5: {  	s6 =	rddreg [dreg:$0x4];
	s7 =	srdreg.scid  }
0x6: {  	s0 =	rddreg [dreg:$0x5];
	s4 =	stileid.u32;
	s12 =	simm.s32 $0x5080  }
0x7: {  	s13 =	simm.s32 $0x50;
	s14 =	simm.s32 $0x2800;
	s15 =	simm.s32 $0x1  }
0x8: {  	s16 =	simm.s32 $0x2;
	s17 =	simm.s32 $0x0;
	s8 =	sand.u32 $0x1, s7  }
0x9: {  	s7 =	simm.s32 $0x0;
	s10 =	sshll.u32 s4, $0x1;
	s9 =	ssub.s32 $0x2, s8  }
0xa: {  	[smem:$0x7FF] =	sst s7;
	s8 =	sor.u32 s8, s10;
	s11 =	sshrl.u32 s9, $0x1  }
0xb: {  	s10 =	simm.s32 $0x5000;
	_ =	strace $0x80000047;
	s9 =	ssub.s32 s9, s11  }
0xc: {  	s8 =	smul.u32 $0x2710, s8;
	s11 =	simm.s32 $0x3;
	s9 =	smax.u32 s9, $0x1  }
.LBB2_1:
0xd: {  	s18 =	simm.s32 $0x0  }
.LBB2_2:
0xe: {  	s19 =	smul.u32 $0x50, s18;
	_ =	sdelay $0x1  }
0xf: {  	s19 =	sadd.s32 s8, s19  }
0x10: {  	s20 =	sshrl.u32 s19, $0x3  }
0x11: {  	s22 =	simm.s32 $0x0;
	s21 =	sadd.s32 s3, s20  }
0x12: {  	[tilespmem:s10], [sflag:$0x3] =	stream.linear.gather [hbm4b:s21+s22], $0x50, $0x38;
	[tilespmem:$0x5100] =	vst v63  }
0x13: {  	_ =	swait.ge [sflag:s11], $0x50  }
0x14: {  	[sflag:s11] =	ssyncset.done $0x0  }
0x15: {  	s20 =	sadd.s32 s5, s20;
	[sflag:s11] =	ssyncadd.s32 $0xFFFFFFB0  }
0x16: {  	[tilespmem:s12], [sflag:$0x3] =	stream.linear.gather [hbm4b:s20+s22], $0x50, $0x38;
	[tilespmem:$0x5100] =	vst v63  }
0x17: {  	_ =	swait.ge [sflag:s11], $0x50  }
0x18: {  	[sflag:s11] =	ssyncset.done $0x0  }
0x19: {  	[sflag:s11] =	ssyncadd.s32 $0xFFFFFFB0  }
0x1a: {  	[tilespmem:s22], [sflag:$0x1] =	stream.indirect.gather [hbm4b:s1+s13], $0x80, s10, s13, $0xb8;
	[tilespmem:$0x5100] =	vst v63  }
0x1b: {  	_ = 	snop  }
0x1c: {  	[tilespmem:s14], [sflag:$0x2] =	stream.indirect.gather [hbm4b:s2+s13], $0x80, s12, s13, $0xb8;
	[tilespmem:$0x5100] =	vst v63  }
0x1d: {  	_ =	swait.ge [sflag:s15], $0x2800  }
0x1e: {  	[sflag:s15] =	ssyncset.done $0x0  }
0x1f: {  	[sflag:s15] =	ssyncadd.s32 $0xFFFFD800  }
0x20: {  	_ =	swait.ge [sflag:s16], $0x2800  }
0x21: {  	[sflag:s16] =	ssyncset.done $0x0  }
0x22: {  	s20 =	simm.s32 $0x0;
	[sflag:s16] =	ssyncadd.s32 $0xFFFFD800  }
0x23: {  	v7 =	vld [tilespmem:s20+$0x2800]  }
0x24: {  	v11 =	vld [tilespmem:s20+$0x2810]  }
0x25: {  	v5 =	vld [tilespmem:s20+$0x2820]  }
0x26: {  	v4 =	vld [tilespmem:s20+$0x2830]  }
0x27: {  	v3 =	vld [tilespmem:s20+$0x2840]  }
0x28: {  	v2 =	vld [tilespmem:s20+$0x2850]  }
0x29: {  	v1 =	vld [tilespmem:s20+$0x2860]  }
0x2a: {  	v0 =	vld [tilespmem:s20+$0x2870]  }
0x2b: {  	v12 =	vld [tilespmem:s20+$0x0]  }
0x2c: {  	v13 =	vld [tilespmem:s20+$0x10]  }
0x2d: {  	v10 =	vld [tilespmem:s20+$0x20]  }
0x2e: {  	v9 =	vld [tilespmem:s20+$0x30]  }
0x2f: {  	v8 =	vld [tilespmem:s20+$0x40]  }
0x30: {  	v6 =	vld [tilespmem:s20+$0x50];
	v12 =	vadd.f32 v7, v12  }
0x31: {  	s21 =	simm.s32 $0x200;
	v11 =	vadd.f32 v11, v13;
	v7 =	vld [tilespmem:s20+$0x60]  }
.LBB2_3:
0x32: {  	s22 =	sshra.s32 s21, $0x2;
	p0 =	sne.s32 s21, $0x9E00;
	[tilespmem:s20+$0x0] =	vst v12;
	v5 =	vadd.f32 v5, v10;
	v10 =	vld [tilespmem:s20+$0x70]  }
0x33: {  	v12 =	vld [tilespmem:s22+$0x2800];
	[tilespmem:s20+$0x10] =	vst v11;
	v4 =	vadd.f32 v4, v9  }
0x34: {  	v11 =	vld [tilespmem:s22+$0x2810];
	[tilespmem:s20+$0x20] =	vst v5;
	v3 =	vadd.f32 v3, v8  }
0x35: {  	v5 =	vld [tilespmem:s22+$0x2820];
	[tilespmem:s20+$0x30] =	vst v4;
	v2 =	vadd.f32 v2, v6  }
0x36: {  	v4 =	vld [tilespmem:s22+$0x2830];
	[tilespmem:s20+$0x40] =	vst v3;
	v1 =	vadd.f32 v1, v7  }
0x37: {  	v3 =	vld [tilespmem:s22+$0x2840];
	[tilespmem:s20+$0x50] =	vst v2;
	v0 =	vadd.f32 v0, v10  }
0x38: {  	v2 =	vld [tilespmem:s22+$0x2850];
	[tilespmem:s20+$0x60] =	vst v1  }
0x39: {  	v1 =	vld [tilespmem:s22+$0x2860];
	[tilespmem:s20+$0x70] =	vst v0;
	s20 =	smov.u32 s22  }
0x3a: {  	v0 =	vld [tilespmem:s20+$0x2870]  }
0x3b: {  	v6 =	vld [tilespmem:s20+$0x0]  }
0x3c: {  	v7 =	vld [tilespmem:s20+$0x10]  }
.Ltmp0:
0x3d: {  	v10 =	vld [tilespmem:s20+$0x20];
	(pc) =	sbr.rel @p0 .LBB2_3-.Ltmp0, $4  }
0x3e: {  	v9 =	vld [tilespmem:s20+$0x30]  }
0x3f: {  	v8 =	vld [tilespmem:s20+$0x40]  }
0x40: {  	v12 =	vadd.f32 v12, v6;
	v6 =	vld [tilespmem:s20+$0x50]  }
0x41: {  	s21 =	sadd.s32 $0x200, s21;
	v11 =	vadd.f32 v11, v7;
	v7 =	vld [tilespmem:s20+$0x60]  }
0x42: {  	[tilespmem:s20+$0x0] =	vst v12;
	v5 =	vadd.f32 v5, v10;
	v63 =	vld [tilespmem:s20+$0x70]  }
0x43: {  	[tilespmem:s20+$0x10] =	vst v11;
	v4 =	vadd.f32 v4, v9  }
0x44: {  	[tilespmem:s20+$0x20] =	vst v5;
	v3 =	vadd.f32 v3, v8  }
0x45: {  	[tilespmem:s20+$0x30] =	vst v4;
	v2 =	vadd.f32 v2, v6  }
0x46: {  	[tilespmem:s20+$0x40] =	vst v3;
	v1 =	vadd.f32 v1, v7  }
0x47: {  	s18 =	sadd.s32 $0x1, s18;
	[tilespmem:s20+$0x50] =	vst v2;
	v0 =	vadd.f32 v0, v63  }
0x48: {  	s19 =	sshll.u32 s19, $0x4;
	p0 =	sne.s32 s18, $0x7D;
	[tilespmem:s20+$0x60] =	vst v1  }
.Ltmp1:
0x49: {  	s19 =	sadd.s32 s6, s19;
	[tilespmem:s20+$0x70] =	vst v0;
	(pc) =	sbr.rel @p0 .LBB2_2-.Ltmp1, $4  }
0x4a: {  	[hbm4b:s19+s7] =	stream.linear.scatter [tilespmem:s7], [sflag:$0x3], $0x2800, $0x38;
	[tilespmem:$0x5100] =	vst v63  }
0x4b: {  	_ =	swait.ge [sflag:s11], $0x2800  }
0x4c: {  	[sflag:s11] =	ssyncset.done $0x0  }
0x4d: {  	[sflag:s11] =	ssyncadd.s32 $0xFFFFD800  }
0x4e: {  	s17 =	sadd.s32 $0x1, s17  }
0x4f: {  	p0 =	sne.s32 s17, s9  }
.Ltmp2:
0x50: {  	_ = 	snop;
	(pc) =	sbr.rel @p0 .LBB2_1-.Ltmp2, $1  }
0x51: {  	_ =	sdelay $0x3  }
0x52: {  	_ =	sfence.sel $0x180000  }
0x53: {  	[bflag:$0x0] =	sbarrier.arrive $0xFFFF  }
0x54: {  	p0 =	sne.s32 s4, $0x0;
	_ =	strace $0x90000047  }
0x55: {  	s0 =	sadd.s32 @!p0 $0x100000, s0;
	[bflag:$0x2] =	sbarrier.arrive $0xFFFF  }
0x56: {  	[sflag:s0] =	ssyncadd.tile.s32 @!p0 $0x1;
	_ =	shalt  }
.Lfunc_end2:
_tile_overlayer_lowered:
.L_overlay_start_2:
0x57: {  	(tag) =	ssettag $0x2  }
0x58: {  	s0 =	rddreg [dreg:$0x0];
	s2 =	stileid.u32  }
0x59: {  	s1 =	rddreg [dreg:$0x1];
	p0 =	sne.s32 s2, $0x0  }
0x5a: {  	s3 =	rddreg [dreg:$0x2];
	[bflag:$0x3] =	sbarrier.arrive $0xFFFF;
	s2 =	simm.s32 @!p0 $0x1C03  }
0x5b: {  	[timem:s3], [sflag:s2] =	dma.local @!p0 [hbm:s0], s1  }
0x5c: {  	s0 =	simm.s32 @!p0 $0x3  }
0x5d: {  	_ =	swait.ge @!p0 [sflag:s0], s1  }
0x5e: {  	s1 =	ssub.s32 @!p0 $0x0, s1;
	[sflag:s0] =	ssyncset.done @!p0 $0x0  }
0x5f: {  	[sflag:s0] =	ssyncadd.s32 @!p0 s1  }
0x60: {  	[bflag:$0x3] =	sbarrier.arrive $0xFFFF  }
0x61: {  	_ =	shalt  }

</sc_bundles>
